<compile_context>
chip_gen: v7x
topology: tpu7x:2x2x1
jax: 0.10.2.dev20260603
libtpu: 0.0.44.dev20260713+nightly
codegen_flags: <defaults>
</compile_context>

<pallas_src>
import functools

import jax
import jax.numpy as jnp
from jax import lax
from jax.experimental import pallas as pl
from jax.experimental.pallas import tpu as pltpu
from jax.experimental.pallas import tpu_sc as plsc

V = 50000
D = 512
H = 512
K = 8
T = 512
MAXLEN = 32

TILE = 2048
NT = (V + TILE - 1) // TILE


def _gather_rows(table, idx):
    info = plsc.get_sparse_core_info()
    nc, ns = info.num_cores, info.num_subcores
    nw = nc * ns
    bpw = T // nw
    mesh = plsc.VectorSubcoreMesh(core_axis_name="c", subcore_axis_name="s")

    @functools.partial(
        pl.kernel,
        mesh=mesh,
        out_type=jax.ShapeDtypeStruct((T, D), jnp.float32),
        scratch_types=[
            pltpu.VMEM((bpw,), jnp.int32),
            pltpu.VMEM((bpw, D), jnp.float32),
            pltpu.SemaphoreType.DMA,
        ],
    )
    def k(table_hbm, idx_hbm, out_hbm, idx_v, rows_v, sem):
        wid = lax.axis_index("s") * nc + lax.axis_index("c")
        base = wid * bpw
        pltpu.sync_copy(idx_hbm.at[pl.ds(base, bpw)], idx_v)
        pltpu.async_copy(table_hbm.at[idx_v], rows_v, sem).wait()
        pltpu.sync_copy(rows_v, out_hbm.at[pl.ds(base, bpw)])

    return k(table, idx)


def _enc_body(emb_ref, wih_ref, whh_ref, b_ref, eo_ref, h_ref, c_ref, xw_s):
    xw_s[...] = jnp.dot(emb_ref[...], wih_ref[...],
                        preferred_element_type=jnp.float32)
    whh = whh_ref[...]
    b = b_ref[...]

    def step(t, hc):
        h, c = hc
        g = (xw_s[pl.ds(t, 1), :]
             + jnp.dot(h, whh, preferred_element_type=jnp.float32)) + b
        i = jax.nn.sigmoid(g[:, :H])
        f = jax.nn.sigmoid(g[:, H:2 * H])
        gg = jnp.tanh(g[:, 2 * H:3 * H])
        o = jax.nn.sigmoid(g[:, 3 * H:])
        c2 = f * c + i * gg
        h2 = o * jnp.tanh(c2)
        eo_ref[pl.ds(t, 1), :] = h2
        return (h2, c2)

    h0 = jnp.zeros((1, H), jnp.float32)
    h, c = lax.fori_loop(0, T, step, (h0, h0))
    h_ref[...] = h
    c_ref[...] = c


def _encoder(emb_seq, wih, whh, b):
    return pl.pallas_call(
        _enc_body,
        out_shape=[
            jax.ShapeDtypeStruct((T, H), jnp.float32),
            jax.ShapeDtypeStruct((1, H), jnp.float32),
            jax.ShapeDtypeStruct((1, H), jnp.float32),
        ],
        scratch_shapes=[pltpu.VMEM((T, 4 * H), jnp.float32)],
    )(emb_seq, wih, whh, b)


def _proj_body(a_ref, w_ref, b_ref, o_ref):
    o_ref[...] = jnp.dot(a_ref[...], w_ref[...],
                         preferred_element_type=jnp.float32) + b_ref[...]


def _proj(hcat, w_out, b_out2):
    m = hcat.shape[0]
    out = pl.pallas_call(
        _proj_body,
        grid=(NT,),
        in_specs=[pl.BlockSpec((m, 2 * H), lambda j: (0, 0)),
                  pl.BlockSpec((2 * H, TILE), lambda j: (0, j)),
                  pl.BlockSpec((1, TILE), lambda j: (0, j))],
        out_specs=pl.BlockSpec((m, TILE), lambda j: (0, j)),
        out_shape=jax.ShapeDtypeStruct((m, NT * TILE), jnp.float32),
    )(hcat, w_out, b_out2)
    return out[:, :V]


def _lstm_cell(x, h, c, W_ih, W_hh, b):
    gates = x @ W_ih + h @ W_hh + b
    i, f, g, o = jnp.split(gates, 4, axis=-1)
    i = jax.nn.sigmoid(i)
    f = jax.nn.sigmoid(f)
    g = jnp.tanh(g)
    o = jax.nn.sigmoid(o)
    c_new = f * c + i * g
    h_new = o * jnp.tanh(c_new)
    return h_new, c_new


def kernel(input_seq, input_length, max_length, bos, embed,
           W_ih_enc, W_hh_enc, b_enc, W_ih_dec, W_hh_dec, b_dec,
           W_out, b_out):
    emb_seq = _gather_rows(embed, input_seq[:, 0].astype(jnp.int32))
    enc_out, h_enc, c_enc = _encoder(emb_seq, W_ih_enc, W_hh_enc,
                                     b_enc.reshape(1, 4 * H))
    encoder_outputs = enc_out[:, None, :]
    b_out2 = b_out.reshape(1, V)

    def dec_step(tokens, h, c, enc_out_b):
        emb = embed[tokens[0]]
        h2, c2 = _lstm_cell(emb, h, c, W_ih_dec, W_hh_dec, b_dec)
        scores = jnp.einsum('tbh,bh->tb', enc_out_b, h2)
        attn = jax.nn.softmax(scores, axis=0)
        context = jnp.einsum('tb,tbh->bh', attn, enc_out_b)
        logits = _proj(jnp.concatenate([h2, context], axis=-1), W_out, b_out2)
        return jax.nn.softmax(logits, axis=-1), h2, c2

    decoder_input = jnp.full((1, 1), bos, dtype=jnp.int32)
    backtrack_idxs = jnp.full((K, MAXLEN), bos, dtype=jnp.int32)
    out, h, c = dec_step(decoder_input, h_enc, c_enc, encoder_outputs)
    cand_scores, candidate_input = jax.lax.top_k(out, K)
    backtrack_scores = jnp.log(cand_scores[0])
    h = jnp.repeat(h, K, axis=0)
    c = jnp.repeat(c, K, axis=0)
    enc_out_k = jnp.broadcast_to(encoder_outputs,
                                 (encoder_outputs.shape[0], K, H))

    def body(t, carry):
        candidate_input, backtrack_idxs, backtrack_scores, h, c = carry
        outputs, h2, c2 = dec_step(candidate_input, h, c, enc_out_k)
        kbyk_scores, kbyk_input = jax.lax.top_k(outputs, K)
        cumulative = jnp.log(kbyk_scores) + backtrack_scores[:, None]
        cand_scores, best_k_idxs = jax.lax.top_k(cumulative.reshape(-1), K)
        best_k = kbyk_input.reshape(-1)[best_k_idxs]
        k_origins = best_k_idxs // K
        backtrack_idxs = backtrack_idxs[k_origins].at[:, t + 1].set(
            candidate_input[0, k_origins])
        backtrack_scores = cand_scores
        h = h2[k_origins]
        c = c2[k_origins]
        candidate_input = best_k[None, :]
        return (candidate_input, backtrack_idxs, backtrack_scores, h, c)

    candidate_input, backtrack_idxs, backtrack_scores, h, c = jax.lax.fori_loop(
        0, max_length - 1, body,
        (candidate_input, backtrack_idxs, backtrack_scores, h, c))

    max_idx = jnp.argmax(backtrack_scores)
    return backtrack_idxs[max_idx]

# --- scband reference (transcript-rebuilt; emitter-appended) ---
"""Pipeline reference for scband-beam-search-decoder-57045755625958 (READ-ONLY COPY).

The authoritative reference and input builder live on the scoring server;
editing this copy changes nothing except your own understanding.
"""

import jax, jax.numpy as jnp
import numpy as np

V = 50000
D = 512
H = 512
K = 8
T = 512
MAXLEN = 32


def lstm_step(x, h, c, W_ih, W_hh, b):
    gates = x @ W_ih + h @ W_hh + b
    i, f, g, o = jnp.split(gates, 4, axis=-1)
    i = jax.nn.sigmoid(i)
    f = jax.nn.sigmoid(f)
    g = jnp.tanh(g)
    o = jax.nn.sigmoid(o)
    c_new = f * c + i * g
    h_new = o * jnp.tanh(c_new)
    return h_new, c_new


def setup_inputs(seed: int = 0):
    key = jax.random.key(seed)
    ks = jax.random.split(key, 12)
    s = 0.02
    inp = {}
    inp["input_seq"] = jax.random.randint(ks[0], (T, 1), 0, V, dtype=jnp.int32)
    inp["input_length"] = T
    inp["max_length"] = MAXLEN
    inp["bos"] = 1
    inp["embed"] = jax.random.normal(ks[1], (V, D), jnp.float32) * s
    inp["W_ih_enc"] = jax.random.normal(ks[2], (D, 4 * H), jnp.float32) * s
    inp["W_hh_enc"] = jax.random.normal(ks[3], (H, 4 * H), jnp.float32) * s
    inp["b_enc"] = jnp.zeros((4 * H,), jnp.float32)
    inp["W_ih_dec"] = jax.random.normal(ks[4], (D, 4 * H), jnp.float32) * s
    inp["W_hh_dec"] = jax.random.normal(ks[5], (H, 4 * H), jnp.float32) * s
    inp["b_dec"] = jnp.zeros((4 * H,), jnp.float32)
    inp["W_out"] = jax.random.normal(ks[6], (2 * H, V), jnp.float32) * s
    inp["b_out"] = jnp.zeros((V,), jnp.float32)
    return inp


def _beam_search(input_seq, max_length, bos, embed, W_ih_enc, W_hh_enc, b_enc, W_ih_dec, W_hh_dec, b_dec, W_out, b_out):
    # ---- encoder: single-layer LSTM over the source sequence ----
    emb_seq = embed[input_seq[:, 0]]  # [T, D]
    h0 = jnp.zeros((1, H), jnp.float32)
    c0 = jnp.zeros((1, H), jnp.float32)

    def enc_scan(carry, x):
        h, c = carry
        h2, c2 = lstm_step(x[None, :], h, c, W_ih_enc, W_hh_enc, b_enc)
        return (h2, c2), h2[0]

    (h_enc, c_enc), ys = jax.lax.scan(enc_scan, (h0, c0), emb_seq)
    encoder_outputs = ys[:, None, :]  # [T, 1, H]

    # ---- decoder step: LSTM + dot attention + softmax over vocab ----
    def dec_step(tokens, h, c, enc_out):
        emb = embed[tokens[0]]  # [B, D]
        h2, c2 = lstm_step(emb, h, c, W_ih_dec, W_hh_dec, b_dec)
        scores = jnp.einsum('tbh,bh->tb', enc_out, h2)
        attn = jax.nn.softmax(scores, axis=0)
        context = jnp.einsum('tb,tbh->bh', attn, enc_out)
        logits = jnp.concatenate([h2, context], axis=-1) @ W_out + b_out
        return jax.nn.softmax(logits, axis=-1), h2, c2

    decoder_input = jnp.full((1, 1), bos, dtype=jnp.int32)
    backtrack_idxs = jnp.full((K, MAXLEN), bos, dtype=jnp.int32)
    out, h, c = dec_step(decoder_input, h_enc, c_enc, encoder_outputs)
    cand_scores, candidate_input = jax.lax.top_k(out, K)  # [1, K]
    backtrack_scores = jnp.log(cand_scores[0])
    h = jnp.repeat(h, K, axis=0)
    c = jnp.repeat(c, K, axis=0)
    enc_out_k = jnp.broadcast_to(encoder_outputs, (encoder_outputs.shape[0], K, H))

    def body(t, carry):
        candidate_input, backtrack_idxs, backtrack_scores, h, c = carry
        outputs, h2, c2 = dec_step(candidate_input, h, c, enc_out_k)  # [K, V]
        kbyk_scores, kbyk_input = jax.lax.top_k(outputs, K)  # [K, K]
        cumulative = jnp.log(kbyk_scores) + backtrack_scores[:, None]
        cand_scores, best_k_idxs = jax.lax.top_k(cumulative.reshape(-1), K)
        best_k = kbyk_input.reshape(-1)[best_k_idxs]
        k_origins = best_k_idxs // K
        backtrack_idxs = backtrack_idxs[k_origins].at[:, t + 1].set(candidate_input[0, k_origins])
        backtrack_scores = cand_scores
        h = h2[k_origins]
        c = c2[k_origins]
        candidate_input = best_k[None, :]
        return (candidate_input, backtrack_idxs, backtrack_scores, h, c)

    candidate_input, backtrack_idxs, backtrack_scores, h, c = jax.lax.fori_loop(
        0, max_length - 1, body, (candidate_input, backtrack_idxs, backtrack_scores, h, c)
    )

    max_idx = jnp.argmax(backtrack_scores)
    tokens = backtrack_idxs[max_idx]
    return tokens, backtrack_scores


def reference(input_seq, input_length, max_length, bos, embed, W_ih_enc, W_hh_enc, b_enc, W_ih_dec, W_hh_dec, b_dec, W_out, b_out):
    tokens, _ = _beam_search(input_seq, max_length, bos, embed, W_ih_enc, W_hh_enc, b_enc, W_ih_dec, W_hh_dec, b_dec, W_out, b_out)
    return tokens

if __name__ == "__main__":
    import jax
    _d = setup_inputs()
    print(jax.jit(kernel)(*tuple(_d.values())))

</pallas_src>

<mosaic_0001>
#map = affine_map<(d0, d1) -> (0, 0)>
#map1 = affine_map<(d0, d1) -> (0)>
module attributes {stable_mosaic.version = 14 : i64} {
  func.func @k(%arg0: i32, %arg1: i32, %arg2: memref<50000x512xf32, #tpu.memory_space<hbm>>, %arg3: memref<512xi32, #tpu.memory_space<hbm>>, %arg4: memref<512x512xf32, #tpu.memory_space<hbm>>, %arg5: memref<16xi32, #tpu.memory_space<vmem>>, %arg6: memref<16x512xf32, #tpu.memory_space<vmem>>, %arg7: memref<!tpu.dma_semaphore, #tpu.memory_space<semaphore_mem>>) attributes {dimension_semantics = [#tpu.dimension_semantics<core_parallel>, #tpu.dimension_semantics<subcore_parallel>], iteration_bounds = array<i64: 2, 16>, scalar_prefetch = 0 : i64, scratch_operands = 3 : i64, tpu.core_type = #tpu.core_type<sc_vector_subcore>, window_params = [{transform_indices = #map}, {transform_indices = #map1}, {transform_indices = #map}]} {
    %mul3A = arith.constant 2 : i32
    %mul3A_0 = arith.muli %arg1, %mul3A : i32
    %add3A = arith.addi %mul3A_0, %arg0 : i32
    %mul3A_1 = arith.constant 16 : i32
    %mul3A_2 = arith.muli %add3A, %mul3A_1 : i32
    "tpu.region"() ({
      %run_scoped3A = tpu.sem_alloc : memref<!tpu.dma_semaphore, #tpu.memory_space<semaphore_mem>>
      %dma_start3A_7 = tpu.memref_slice %arg3[%mul3A_2] : memref<512xi32, #tpu.memory_space<hbm>> -> memref<16xi32, #tpu.memory_space<hbm>>
      %dma_start3A_8 = tpu.memref_slice %arg3[%mul3A_2] : memref<512xi32, #tpu.memory_space<hbm>> -> memref<16xi32, #tpu.memory_space<hbm>>
      tpu.enqueue_dma source(%dma_start3A_8 : memref<16xi32, #tpu.memory_space<hbm>>) target(%arg5 : memref<16xi32, #tpu.memory_space<vmem>>) target_semaphore(%run_scoped3A : memref<!tpu.dma_semaphore, #tpu.memory_space<semaphore_mem>>)
      %dma_wait3A_9 = tpu.memref_slice %arg3[%mul3A_2] : memref<512xi32, #tpu.memory_space<hbm>> -> memref<16xi32, #tpu.memory_space<hbm>>
      %dma_wait3A_10 = tpu.memref_slice %arg3[%mul3A_2] : memref<512xi32, #tpu.memory_space<hbm>> -> memref<16xi32, #tpu.memory_space<hbm>>
      tpu.wait_dma2 semaphore(%run_scoped3A : memref<!tpu.dma_semaphore, #tpu.memory_space<semaphore_mem>>) src(%dma_wait3A_10 : memref<16xi32, #tpu.memory_space<hbm>>) dst(%arg5 : memref<16xi32, #tpu.memory_space<vmem>>)
      tpu.yield
    }) : () -> ()
    %dma_start3A = arith.constant 0 : i32
    %dma_start3A_3 = arith.constant 0 : i32
    %dma_start3A_4 = tpu.memref_slice %arg2[%dma_start3A, %dma_start3A_3] : memref<50000x512xf32, #tpu.memory_space<hbm>> -> memref<50000x512xf32, #tpu.memory_space<hbm>>
    tpu.enqueue_indirect_dma source(%dma_start3A_4 : memref<50000x512xf32, #tpu.memory_space<hbm>>) target(%arg6 : memref<16x512xf32, #tpu.memory_space<vmem>>) offsets(%arg5 : memref<16xi32, #tpu.memory_space<vmem>>) semaphore(%arg7 : memref<!tpu.dma_semaphore, #tpu.memory_space<semaphore_mem>>)
    %dma_wait3A = arith.constant 0 : i32
    %dma_wait3A_5 = arith.constant 0 : i32
    %dma_wait3A_6 = tpu.memref_slice %arg2[%dma_wait3A, %dma_wait3A_5] : memref<50000x512xf32, #tpu.memory_space<hbm>> -> memref<50000x512xf32, #tpu.memory_space<hbm>>
    tpu.wait_indirect_dma semaphore(%arg7 : memref<!tpu.dma_semaphore, #tpu.memory_space<semaphore_mem>>) src(%dma_wait3A_6 : memref<50000x512xf32, #tpu.memory_space<hbm>>) dst(%arg6 : memref<16x512xf32, #tpu.memory_space<vmem>>)
    "tpu.region"() ({
      %run_scoped3A = tpu.sem_alloc : memref<!tpu.dma_semaphore, #tpu.memory_space<semaphore_mem>>
      %dma_start3A_7 = arith.constant 0 : i32
      %dma_start3A_8 = tpu.memref_slice %arg4[%mul3A_2, %dma_start3A_7] : memref<512x512xf32, #tpu.memory_space<hbm>> -> memref<16x512xf32, #tpu.memory_space<hbm>>
      %dma_start3A_9 = arith.constant 0 : i32
      %dma_start3A_10 = tpu.memref_slice %arg4[%mul3A_2, %dma_start3A_9] : memref<512x512xf32, #tpu.memory_space<hbm>> -> memref<16x512xf32, #tpu.memory_space<hbm>>
      tpu.enqueue_dma source(%arg6 : memref<16x512xf32, #tpu.memory_space<vmem>>) target(%dma_start3A_10 : memref<16x512xf32, #tpu.memory_space<hbm>>) target_semaphore(%run_scoped3A : memref<!tpu.dma_semaphore, #tpu.memory_space<semaphore_mem>>)
      %dma_wait3A_11 = arith.constant 0 : i32
      %dma_wait3A_12 = tpu.memref_slice %arg4[%mul3A_2, %dma_wait3A_11] : memref<512x512xf32, #tpu.memory_space<hbm>> -> memref<16x512xf32, #tpu.memory_space<hbm>>
      %dma_wait3A_13 = arith.constant 0 : i32
      %dma_wait3A_14 = tpu.memref_slice %arg4[%mul3A_2, %dma_wait3A_13] : memref<512x512xf32, #tpu.memory_space<hbm>> -> memref<16x512xf32, #tpu.memory_space<hbm>>
      tpu.wait_dma2 semaphore(%run_scoped3A : memref<!tpu.dma_semaphore, #tpu.memory_space<semaphore_mem>>) src(%arg6 : memref<16x512xf32, #tpu.memory_space<vmem>>) dst(%dma_wait3A_14 : memref<16x512xf32, #tpu.memory_space<hbm>>)
      tpu.yield
    }) : () -> ()
    return
  }
}

module attributes {stable_mosaic.version = 14 : i64} {
  func.func @_enc_body(%arg0: memref<512x512xf32, #tpu.memory_space<vmem>>, %arg1: memref<512x2048xf32, #tpu.memory_space<vmem>>, %arg2: memref<512x2048xf32, #tpu.memory_space<vmem>>, %arg3: memref<1x2048xf32, #tpu.memory_space<vmem>>, %arg4: memref<512x512xf32, #tpu.memory_space<vmem>>, %arg5: memref<1x512xf32, #tpu.memory_space<vmem>>, %arg6: memref<1x512xf32, #tpu.memory_space<vmem>>, %arg7: memref<512x2048xf32, #tpu.memory_space<vmem>>) attributes {dimension_semantics = [], scalar_prefetch = 0 : i64, scratch_operands = 1 : i64, tpu.core_type = #tpu.core_type<tc>} {
    %get3A = arith.constant 0 : index
    %get3A_0 = arith.constant 0 : index
    %get3A_1 = vector.load %arg0[%get3A, %get3A_0] : memref<512x512xf32, #tpu.memory_space<vmem>>, vector<512x512xf32>
    %get3A_2 = arith.constant 0 : index
    %get3A_3 = arith.constant 0 : index
    %get3A_4 = vector.load %arg1[%get3A_2, %get3A_3] : memref<512x2048xf32, #tpu.memory_space<vmem>>, vector<512x2048xf32>
    %dot_general3A = arith.constant dense<0.000000e+00> : vector<512x2048xf32>
    %dot_general3A_5 = tpu.matmul %get3A_1, %get3A_4, %dot_general3A {dimension_numbers = #tpu.dot_dimension_numbers<[1], [0], [0], [1], [0, 0, 1, 1], [], []>, transpose_lhs_hint = false} : vector<512x512xf32>, vector<512x2048xf32>, vector<512x2048xf32> -> vector<512x2048xf32>
    %swap3A = arith.constant 0 : index
    %swap3A_6 = arith.constant 0 : index
    %swap3A_7 = vector.load %arg7[%swap3A, %swap3A_6] : memref<512x2048xf32, #tpu.memory_space<vmem>>, vector<512x2048xf32>
    tpu.vector_store %arg7[%swap3A, %swap3A_6], %dot_general3A_5 {strides = array<i32>} : memref<512x2048xf32, #tpu.memory_space<vmem>>, vector<512x2048xf32>,
    %get3A_8 = arith.constant 0 : index
    %get3A_9 = arith.constant 0 : index
    %get3A_10 = vector.load %arg2[%get3A_8, %get3A_9] : memref<512x2048xf32, #tpu.memory_space<vmem>>, vector<512x2048xf32>
    %get3A_11 = arith.constant 0 : index
    %get3A_12 = arith.constant 0 : index
    %get3A_13 = vector.load %arg3[%get3A_11, %get3A_12] : memref<1x2048xf32, #tpu.memory_space<vmem>>, vector<1x2048xf32>
    %broadcast_in_dim3A = arith.constant 0.000000e+00 : f32
    %broadcast_in_dim3A_14 = vector.broadcast %broadcast_in_dim3A : f32 to vector<1x512xf32>
    %scan3A = arith.constant 0 : i32
    %scan3A_15 = arith.constant 512 : i32
    %scan3A_16 = arith.addi %scan3A, %scan3A_15 : i32
    %scan3A_17 = arith.constant 1 : i32
    %scan3A_18:2 = scf.for %scan3A_26 = %scan3A to %scan3A_16 step %scan3A_17 iter_args(%scan3A_27 = %broadcast_in_dim3A_14, %scan3A_28 = %broadcast_in_dim3A_14) -> (vector<1x512xf32>, vector<1x512xf32>)  : i32 {
      %get3A_29 = arith.index_cast %scan3A_26 : i32 to index
      %get3A_30 = arith.constant 0 : index
      %get3A_31 = vector.load %arg7[%get3A_29, %get3A_30] : memref<512x2048xf32, #tpu.memory_space<vmem>>, vector<1x2048xf32>
      %dot_general3A_32 = arith.constant dense<0.000000e+00> : vector<1x2048xf32>
      %dot_general3A_33 = tpu.matmul %scan3A_27, %get3A_10, %dot_general3A_32 {dimension_numbers = #tpu.dot_dimension_numbers<[1], [0], [0], [1], [0, 0, 1, 1], [], []>, transpose_lhs_hint = false} : vector<1x512xf32>, vector<512x2048xf32>, vector<1x2048xf32> -> vector<1x2048xf32>
      %add3A = arith.addf %get3A_31, %dot_general3A_33 : vector<1x2048xf32>
      %add3A_34 = arith.addf %add3A, %get3A_13 : vector<1x2048xf32>
      %slice3A = vector.extract_strided_slice %add3A_34 {offsets = [0, 0], sizes = [1, 512], strides = [1, 1]} : vector<1x2048xf32> to vector<1x512xf32>
      %logistic3A = arith.negf %slice3A : vector<1x512xf32>
      %logistic3A_35 = math.exp %logistic3A : vector<1x512xf32>
      %logistic3A_36 = arith.constant 1.000000e+00 : f32
      %logistic3A_37 = vector.broadcast %logistic3A_36 : f32 to vector<1x512xf32>
      %logistic3A_38 = arith.addf %logistic3A_37, %logistic3A_35 : vector<1x512xf32>
      %logistic3A_39 = arith.divf %logistic3A_37, %logistic3A_38 : vector<1x512xf32>
      %slice3A_40 = vector.extract_strided_slice %add3A_34 {offsets = [0, 512], sizes = [1, 512], strides = [1, 1]} : vector<1x2048xf32> to vector<1x512xf32>
      %logistic3A_41 = arith.negf %slice3A_40 : vector<1x512xf32>
      %logistic3A_42 = math.exp %logistic3A_41 : vector<1x512xf32>
      %logistic3A_43 = arith.constant 1.000000e+00 : f32
      %logistic3A_44 = vector.broadcast %logistic3A_43 : f32 to vector<1x512xf32>
      %logistic3A_45 = arith.addf %logistic3A_44, %logistic3A_42 : vector<1x512xf32>
      %logistic3A_46 = arith.divf %logistic3A_44, %logistic3A_45 : vector<1x512xf32>
      %slice3A_47 = vector.extract_strided_slice %add3A_34 {offsets = [0, 1024], sizes = [1, 512], strides = [1, 1]} : vector<1x2048xf32> to vector<1x512xf32>
      %tanh3A = math.tanh %slice3A_47 : vector<1x512xf32>
      %slice3A_48 = vector.extract_strided_slice %add3A_34 {offsets = [0, 1536], sizes = [1, 512], strides = [1, 1]} : vector<1x2048xf32> to vector<1x512xf32>
      %logistic3A_49 = arith.negf %slice3A_48 : vector<1x512xf32>
      %logistic3A_50 = math.exp %logistic3A_49 : vector<1x512xf32>
      %logistic3A_51 = arith.constant 1.000000e+00 : f32
      %logistic3A_52 = vector.broadcast %logistic3A_51 : f32 to vector<1x512xf32>
      %logistic3A_53 = arith.addf %logistic3A_52, %logistic3A_50 : vector<1x512xf32>
      %logistic3A_54 = arith.divf %logistic3A_52, %logistic3A_53 : vector<1x512xf32>
      %mul3A = arith.mulf %logistic3A_46, %scan3A_28 : vector<1x512xf32>
      %mul3A_55 = arith.mulf %logistic3A_39, %tanh3A : vector<1x512xf32>
      %add3A_56 = arith.addf %mul3A, %mul3A_55 : vector<1x512xf32>
      %tanh3A_57 = math.tanh %add3A_56 : vector<1x512xf32>
      %mul3A_58 = arith.mulf %logistic3A_54, %tanh3A_57 : vector<1x512xf32>
      %swap3A_59 = arith.index_cast %scan3A_26 : i32 to index
      %swap3A_60 = arith.constant 0 : index
      %swap3A_61 = vector.load %arg4[%swap3A_59, %swap3A_60] : memref<512x512xf32, #tpu.memory_space<vmem>>, vector<1x512xf32>
      tpu.vector_store %arg4[%swap3A_59, %swap3A_60], %mul3A_58 {strides = array<i32>} : memref<512x512xf32, #tpu.memory_space<vmem>>, vector<1x512xf32>,
      scf.yield %mul3A_58, %add3A_56 : vector<1x512xf32>, vector<1x512xf32>
    }
    %scan3A_19 = arith.constant 512 : i32
    %swap3A_20 = arith.constant 0 : index
    %swap3A_21 = arith.constant 0 : index
    %swap3A_22 = vector.load %arg5[%swap3A_20, %swap3A_21] : memref<1x512xf32, #tpu.memory_space<vmem>>, vector<1x512xf32>
    tpu.vector_store %arg5[%swap3A_20, %swap3A_21], %scan3A_18#0 {strides = array<i32>} : memref<1x512xf32, #tpu.memory_space<vmem>>, vector<1x512xf32>,
    %swap3A_23 = arith.constant 0 : index
    %swap3A_24 = arith.constant 0 : index
    %swap3A_25 = vector.load %arg6[%swap3A_23, %swap3A_24] : memref<1x512xf32, #tpu.memory_space<vmem>>, vector<1x512xf32>
    tpu.vector_store %arg6[%swap3A_23, %swap3A_24], %scan3A_18#1 {strides = array<i32>} : memref<1x512xf32, #tpu.memory_space<vmem>>, vector<1x512xf32>,
    return
  }
}

module attributes {stable_mosaic.version = 14 : i64} {
  func.func @_proj_body(%arg0: i32, %arg1: memref<1x1024xf32, #tpu.memory_space<vmem>>, %arg2: memref<1024x2048xf32, #tpu.memory_space<vmem>>, %arg3: memref<1x2048xf32, #tpu.memory_space<vmem>>, %arg4: memref<1x2048xf32, #tpu.memory_space<vmem>>) attributes {dimension_semantics = [#tpu.dimension_semantics<arbitrary>], iteration_bounds = array<i64: 25>, scalar_prefetch = 0 : i64, scratch_operands = 0 : i64, tpu.core_type = #tpu.core_type<tc>, window_params = [{pipeline_mode = #tpu.pipeline_mode<synchronous>, transform_indices = @transform_0, window_bounds = array<i64: 1, 1024>}, {transform_indices = @transform_1, window_bounds = array<i64: 1024, 2048>}, {transform_indices = @transform_2, window_bounds = array<i64: 1, 2048>}, {transform_indices = @transform_3, window_bounds = array<i64: 1, 2048>}]} {
    %get3A = arith.constant 0 : index
    %get3A_0 = arith.constant 0 : index
    %get3A_1 = vector.load %arg1[%get3A, %get3A_0] : memref<1x1024xf32, #tpu.memory_space<vmem>>, vector<1x1024xf32>
    %get3A_2 = arith.constant 0 : index
    %get3A_3 = arith.constant 0 : index
    %get3A_4 = vector.load %arg2[%get3A_2, %get3A_3] : memref<1024x2048xf32, #tpu.memory_space<vmem>>, vector<1024x2048xf32>
    %dot_general3A = arith.constant dense<0.000000e+00> : vector<1x2048xf32>
    %dot_general3A_5 = tpu.matmul %get3A_1, %get3A_4, %dot_general3A {dimension_numbers = #tpu.dot_dimension_numbers<[1], [0], [0], [1], [0, 0, 1, 1], [], []>, transpose_lhs_hint = false} : vector<1x1024xf32>, vector<1024x2048xf32>, vector<1x2048xf32> -> vector<1x2048xf32>
    %get3A_6 = arith.constant 0 : index
    %get3A_7 = arith.constant 0 : index
    %get3A_8 = vector.load %arg3[%get3A_6, %get3A_7] : memref<1x2048xf32, #tpu.memory_space<vmem>>, vector<1x2048xf32>
    %add3A = arith.addf %dot_general3A_5, %get3A_8 : vector<1x2048xf32>
    %swap3A = arith.constant 0 : index
    %swap3A_9 = arith.constant 0 : index
    %swap3A_10 = vector.load %arg4[%swap3A, %swap3A_9] : memref<1x2048xf32, #tpu.memory_space<vmem>>, vector<1x2048xf32>
    tpu.vector_store %arg4[%swap3A, %swap3A_9], %add3A {strides = array<i32>} : memref<1x2048xf32, #tpu.memory_space<vmem>>, vector<1x2048xf32>,
    return
  }
  func.func @transform_0(%arg0: i32) -> (i32, i32) {
    %c0_i32 = arith.constant 0 : i32
    %c0_i32_0 = arith.constant 0 : i32
    %c0_i32_1 = arith.constant 0 : i32
    return %c0_i32, %c0_i32_0 : i32, i32
  }
  func.func @transform_1(%arg0: i32) -> (i32, i32) {
    %c0_i32 = arith.constant 0 : i32
    %c0_i32_0 = arith.constant 0 : i32
    return %c0_i32, %arg0 : i32, i32
  }
  func.func @transform_2(%arg0: i32) -> (i32, i32) {
    %c0_i32 = arith.constant 0 : i32
    %c0_i32_0 = arith.constant 0 : i32
    return %c0_i32, %arg0 : i32, i32
  }
  func.func @transform_3(%arg0: i32) -> (i32, i32) {
    %c0_i32 = arith.constant 0 : i32
    %c0_i32_0 = arith.constant 0 : i32
    return %c0_i32, %arg0 : i32, i32
  }
}

module attributes {stable_mosaic.version = 14 : i64} {
  func.func @_proj_body(%arg0: i32, %arg1: memref<8x1024xf32, #tpu.memory_space<vmem>>, %arg2: memref<1024x2048xf32, #tpu.memory_space<vmem>>, %arg3: memref<1x2048xf32, #tpu.memory_space<vmem>>, %arg4: memref<8x2048xf32, #tpu.memory_space<vmem>>) attributes {dimension_semantics = [#tpu.dimension_semantics<arbitrary>], iteration_bounds = array<i64: 25>, scalar_prefetch = 0 : i64, scratch_operands = 0 : i64, tpu.core_type = #tpu.core_type<tc>, window_params = [{pipeline_mode = #tpu.pipeline_mode<synchronous>, transform_indices = @transform_0, window_bounds = array<i64: 8, 1024>}, {transform_indices = @transform_1, window_bounds = array<i64: 1024, 2048>}, {transform_indices = @transform_2, window_bounds = array<i64: 1, 2048>}, {transform_indices = @transform_3, window_bounds = array<i64: 8, 2048>}]} {
    %get3A = arith.constant 0 : index
    %get3A_0 = arith.constant 0 : index
    %get3A_1 = vector.load %arg1[%get3A, %get3A_0] : memref<8x1024xf32, #tpu.memory_space<vmem>>, vector<8x1024xf32>
    %get3A_2 = arith.constant 0 : index
    %get3A_3 = arith.constant 0 : index
    %get3A_4 = vector.load %arg2[%get3A_2, %get3A_3] : memref<1024x2048xf32, #tpu.memory_space<vmem>>, vector<1024x2048xf32>
    %dot_general3A = arith.constant dense<0.000000e+00> : vector<8x2048xf32>
    %dot_general3A_5 = tpu.matmul %get3A_1, %get3A_4, %dot_general3A {dimension_numbers = #tpu.dot_dimension_numbers<[1], [0], [0], [1], [0, 0, 1, 1], [], []>, transpose_lhs_hint = false} : vector<8x1024xf32>, vector<1024x2048xf32>, vector<8x2048xf32> -> vector<8x2048xf32>
    %get3A_6 = arith.constant 0 : index
    %get3A_7 = arith.constant 0 : index
    %get3A_8 = vector.load %arg3[%get3A_6, %get3A_7] : memref<1x2048xf32, #tpu.memory_space<vmem>>, vector<1x2048xf32>
    %add3A = vector.broadcast %get3A_8 : vector<1x2048xf32> to vector<8x2048xf32>
    %add3A_9 = arith.addf %dot_general3A_5, %add3A : vector<8x2048xf32>
    %swap3A = arith.constant 0 : index
    %swap3A_10 = arith.constant 0 : index
    %swap3A_11 = vector.load %arg4[%swap3A, %swap3A_10] : memref<8x2048xf32, #tpu.memory_space<vmem>>, vector<8x2048xf32>
    tpu.vector_store %arg4[%swap3A, %swap3A_10], %add3A_9 {strides = array<i32>} : memref<8x2048xf32, #tpu.memory_space<vmem>>, vector<8x2048xf32>,
    return
  }
  func.func @transform_0(%arg0: i32) -> (i32, i32) {
    %c0_i32 = arith.constant 0 : i32
    %c0_i32_0 = arith.constant 0 : i32
    %c0_i32_1 = arith.constant 0 : i32
    return %c0_i32, %c0_i32_0 : i32, i32
  }
  func.func @transform_1(%arg0: i32) -> (i32, i32) {
    %c0_i32 = arith.constant 0 : i32
    %c0_i32_0 = arith.constant 0 : i32
    return %c0_i32, %arg0 : i32, i32
  }
  func.func @transform_2(%arg0: i32) -> (i32, i32) {
    %c0_i32 = arith.constant 0 : i32
    %c0_i32_0 = arith.constant 0 : i32
    return %c0_i32, %arg0 : i32, i32
  }
  func.func @transform_3(%arg0: i32) -> (i32, i32) {
    %c0_i32 = arith.constant 0 : i32
    %c0_i32_0 = arith.constant 0 : i32
    return %c0_i32, %arg0 : i32, i32
  }
}

</mosaic_0001>

<sc_bundles>
// kernel: kernel.5.cloned.1.call-start
scs
__scs_entry_jumppad:
0x0: {  	(pc) =	sbr.rel $0x88, $3  }
0x1: {  	(tag) =	ssettag $0x0;
	lr =	simm.s32 $0x1  }
0x2: {  	[smem:$0x3F95] =	sst lr;
	_ =	strace $0xD0000000  }
0x3: {  	_ = 	snop  }
0x4: {  	_ = 	snop  }
0x5: {  	_ = 	snop  }
0x6: {  	_ = 	snop  }
0x7: {  	_ = 	snop  }
__scs_overlays_trampoline_lowered:
0x8: {  	[smem:$0x3FA4] =	sst s0  }
0x9: {  	[smem:$0x3FA5] =	sst s1  }
0xa: {  	[smem:$0x3FA6] =	sst s2  }
0xb: {  	[smem:$0x3FA7] =	sst s3  }
0xc: {  	[smem:$0x3FA8] =	sst s4  }
0xd: {  	[smem:$0x3FA9] =	sst s5  }
0xe: {  	[smem:$0x3FAA] =	sst s6  }
0xf: {  	[smem:$0x3FAB] =	sst s7  }
0x10: {  	[smem:$0x3FAC] =	sst s8  }
0x11: {  	[smem:$0x3FAD] =	sst s9;
	s0 =	simm.s32 @!p0 $0x0  }
0x12: {  	s1 =	sld [smem:$0x3F93];
	s0 =	simm.s32 @p0 $0x1  }
0x13: {  	[smem:$0x3FAE] =	sst s0;
	s0 =	simm.s32 @!p1 $0x0  }
0x14: {  	s2 =	sld [smem:$0x3F92];
	s0 =	simm.s32 @p1 $0x1  }
0x15: {  	[smem:$0x3FAF] =	sst s0;
	s0 =	simm.s32 @!p2 $0x0  }
0x16: {  	s3 =	sld [smem:$0x3FDB];
	s0 =	simm.s32 @p2 $0x1  }
0x17: {  	s4 =	simm.s32 $0x1BF5;
	[smem:$0x3FB1] =	sst s0  }
0x18: {  	s0 =	sld [smem:$0x3F94];
	_ =	swait.ge [sflag:s4], $0x0  }
0x19: {  	s7 =	sld [smem:$0x3F95]  }
0x1a: {  	s8 =	sadd.s32 $0xFFFFE003, lr  }
0x1b: {  	s9 =	sadd.s32 $0xFFFFFEF7, lr;
	s5 =	simm.s32 $0xFFFFFFFF;
	p2 =	slt.u32 s8, $0xFFFFF086  }
0x1c: {  	p1 =	slt.u32 s9, $0xF7A;
	s5 =	simm.s32 @!p2 $0x0  }
0x1d: {  	s5 =	simm.s32 @p1 $0x1;
	p0 =	seq.s32 s7, s2  }
0x1e: {  	s7 =	smul.u32 @!p0 $0xF7A, s2;
	p2 =	seq.s32 @!p0 s5, $0x0  }
0x1f: {  	s9 =	smul.u32 $0xF7A, s1;
	s8 =	simm.s32 @!p0 $0x1BF5;
	p2 =	por !p2, p0  }
0x20: {  	[sflag:s8] =	ssyncset.s32 @!p0 $0xFFFFF086;
	s6 =	sadd.s32 @!p0 s3, s7;
	s7 =	simm.s32 @!p0 $0x108  }
0x21: {  	s3 =	sadd.s32 s3, s9;
	s6 =	sadd.s32 @!p0 $0x88, s6;
	s7 =	simm.s32 @p2 $0x1082  }
0x22: {  	[simem:s7], [sflag:s8] =	dma.local @!p0 [hbm:s6], $0xF7A  }
0x23: {  	s9 =	sor.u32 $0xD0000000, s2;
	s6 =	simm.s32 $0x108;
	_ =	swait.ge @!p0 [sflag:s8], $0x0  }
0x24: {  	s3 =	sadd.s32 $0x88, s3;
	s6 =	simm.s32 @!p1 $0x1082;
	[sflag:s4] =	ssyncset.s32 $0xFFFFF086  }
0x25: {  	[simem:s6], [sflag:s4] =	dma.local [hbm:s3], $0xF7A  }
0x26: {  	[smem:$0x3F95] =	sst s1;
	(tag) =	ssettag s2;
	_ =	strace s9  }
0x27: {  	s1 =	sld [smem:$0x3FA5]  }
0x28: {  	s2 =	sld [smem:$0x3FA6]  }
0x29: {  	s4 =	sld [smem:$0x3FA8]  }
0x2a: {  	p0 =	seq.s32 s5, $0x0;
	s5 =	sld [smem:$0x3FA9]  }
0x2b: {  	s6 =	sld [smem:$0x3FAA]  }
0x2c: {  	s7 =	sld [smem:$0x3FAB]  }
0x2d: {  	s3 =	simm.s32 $0x108;
	s8 =	sld [smem:$0x3FAC]  }
0x2e: {  	s3 =	simm.s32 @!p0 $0x1082;
	s9 =	sld [smem:$0x3FAD]  }
0x2f: {  	lr =	sadd.s32 s0, s3;
	s0 =	sld [smem:$0x3FA4]  }
0x30: {  	s3 =	sld [smem:$0x3FA7]  }
0x31: {  	[smem:$0x3FB0] =	sst s10  }
0x32: {  	s10 =	sld [smem:$0x3FAE];
	_ =	sdelay $0x3  }
0x33: {  	p0 =	seq.s32 s10, $0x1;
	s10 =	sld [smem:$0x3FB0];
	_ =	sdelay $0x3  }
0x34: {  	[smem:$0x3FB0] =	sst s10  }
0x35: {  	s10 =	sld [smem:$0x3FAF];
	_ =	sdelay $0x3  }
0x36: {  	p1 =	seq.s32 s10, $0x1;
	s10 =	sld [smem:$0x3FB0];
	_ =	sdelay $0x3  }
0x37: {  	[smem:$0x3FB0] =	sst s10  }
0x38: {  	s10 =	sld [smem:$0x3FB1]  }
0x39: {  	_ = 	snop;
	(pc) =	sbr.ind lr, $3  }
0x3a: {  	_ = 	snop  }
0x3b: {  	_ = 	snop  }
0x3c: {  	p2 =	seq.s32 s10, $0x1;
	s10 =	sld [smem:$0x3FB0]  }
0x3d: {  	_ =	shalt  }
0x3e: {  	_ =	shalt  }
0x3f: {  	_ =	shalt  }
0x40: {  	_ =	shalt  }
0x41: {  	_ =	shalt  }
0x42: {  	_ =	shalt  }
0x43: {  	_ =	shalt  }
0x44: {  	_ =	shalt  }
0x45: {  	_ =	shalt  }
0x46: {  	_ =	shalt  }
0x47: {  	_ =	shalt  }
0x48: {  	_ =	shalt  }
0x49: {  	_ =	shalt  }
0x4a: {  	_ =	shalt  }
0x4b: {  	_ =	shalt  }
0x4c: {  	_ =	shalt  }
0x4d: {  	_ =	shalt  }
0x4e: {  	_ =	shalt  }
0x4f: {  	_ =	shalt  }
0x50: {  	_ =	shalt  }
0x51: {  	_ =	shalt  }
0x52: {  	_ =	shalt  }
0x53: {  	_ =	shalt  }
0x54: {  	_ =	shalt  }
0x55: {  	_ =	shalt  }
0x56: {  	_ =	shalt  }
0x57: {  	_ =	shalt  }
0x58: {  	_ =	shalt  }
0x59: {  	_ =	shalt  }
0x5a: {  	_ =	shalt  }
0x5b: {  	_ =	shalt  }
0x5c: {  	_ =	shalt  }
0x5d: {  	_ =	shalt  }
0x5e: {  	_ =	shalt  }
0x5f: {  	_ =	shalt  }
0x60: {  	_ =	shalt  }
0x61: {  	_ =	shalt  }
0x62: {  	_ =	shalt  }
0x63: {  	_ =	shalt  }
0x64: {  	_ =	shalt  }
0x65: {  	_ =	shalt  }
0x66: {  	_ =	shalt  }
0x67: {  	_ =	shalt  }
0x68: {  	_ =	shalt  }
0x69: {  	_ =	shalt  }
0x6a: {  	_ =	shalt  }
0x6b: {  	_ =	shalt  }
0x6c: {  	_ =	shalt  }
0x6d: {  	_ =	shalt  }
0x6e: {  	_ =	shalt  }
0x6f: {  	_ =	shalt  }
0x70: {  	_ =	shalt  }
0x71: {  	_ =	shalt  }
0x72: {  	_ =	shalt  }
0x73: {  	_ =	shalt  }
0x74: {  	_ =	shalt  }
0x75: {  	_ =	shalt  }
0x76: {  	_ =	shalt  }
0x77: {  	_ =	shalt  }
0x78: {  	_ =	shalt  }
0x79: {  	_ =	shalt  }
0x7a: {  	_ =	shalt  }
0x7b: {  	_ =	shalt  }
0x7c: {  	_ =	shalt  }
0x7d: {  	_ =	shalt  }
0x7e: {  	_ =	shalt  }
0x7f: {  	_ =	shalt  }
0x80: {  	_ =	shalt  }
0x81: {  	_ =	shalt  }
0x82: {  	_ =	shalt  }
0x83: {  	_ =	shalt  }
0x84: {  	_ =	shalt  }
0x85: {  	_ =	shalt  }
0x86: {  	_ =	shalt  }
0x87: {  	_ =	shalt  }
.Lfunc_end0:
.L_simem_size_0:
called_computation.1_lowered:
.L_overlay_start_0:
0x88: {  	s2 =	sld [smem:$0x3FD9]  }
0x89: {  	s3 =	sld [smem:$0x3FFE];
	_ =	sdelay $0x1  }
0x8a: {  	s1 =	srdreg.scid  }
0x8b: {  	s0 =	sand.u32 $0x1, s1  }
0x8c: {  	s17 =	sshll.u32 s0, $0xA;
	s2 =	sadd.s32 s3, s2  }
0x8d: {  	s2 =	sadd.s32 s2, s17  }
0x8e: {  	[smem:$0x3FBC] =	sst s2  }
0x8f: {  	_ = 	snop  }
0x90: {  	s2 =	sld [smem:$0x3FC9]  }
0x91: {  	s18 =	sld [smem:$0x3FC6];
	(tm) =	ssettm $0x1  }
0x92: {  	s4 =	sld [smem:$0x3FFB];
	_ =	sdelay $0x3  }
0x93: {  	_ =	strace s4  }
0x94: {  	s4 =	sld [smem:$0x3FFC];
	_ =	sdelay $0x3  }
0x95: {  	_ =	strace s4  }
0x96: {  	s4 =	sld [smem:$0x3FFD];
	_ =	sdelay $0x3  }
0x97: {  	_ =	strace s4  }
0x98: {  	_ =	strace $0x8FFFFFFF  }
0x99: {  	s19 =	sld [smem:$0x3FDB];
	_ =	sdelay $0x1  }
0x9a: {  	s5 =	simm.s32 $_scs_section_size  }
0x9b: {  	s6 =	simm.s32 $_size__tile_overlayer_lowered;
	s7 =	simm.s32 $_tile_overlayer_lowered  }
0x9c: {  	s22 =	simm.s32 $0x1BFF;
	s21 =	sshll.u32 s7, $0x1;
	s4 =	sadd.s32 s5, s19  }
0x9d: {  	s8 =	simm.s32 $0x0;
	s20 =	sshll.u32 s6, $0x1;
	s6 =	sadd.s32 s21, s4  }
0x9e: {  	[timem:s8], [sflag:s22] =	dma.local [hbm:s6], s20  }
0x9f: {  	_ =	swait.ge [sflag:s22], s20  }
0xa0: {  	s5 =	ssub.s32 $0x0, s20;
	[sflag:s22] =	ssyncset.done $0x0  }
0xa1: {  	[sflag:s22] =	ssyncadd.s32 s5;
	_ =	sdelay $0x1  }
0xa2: {  	s23 =	simm.s32 $0x1B8B  }
0xa3: {  	_ =	swait.ge [sflag:s23], $0x1  }
0xa4: {  	[sflag:s23] =	ssyncset.done $0x0  }
0xa5: {  	s25 =	simm.s32 $0x1B8E;
	s24 =	sld [smem:$0x3FFE];
	[sflag:s23] =	ssyncadd.s32 $0xFFFFFFFF  }
0xa6: {  	s26 =	simm.s32 $execute0_lowered;
	[smem:$0x3FD2] =	sst s25  }
0xa7: {  	s6 =	sshll.u32 s26, $0x1;
	_ =	strace $0x80000046;
	[dreg:$0x1] =	wrdreg $0xFFFFFFFF  }
0xa8: {  	s28 =	simm.s32 $_size_execute0_lowered;
	s4 =	sadd.s32 s4, s6;
	[dreg:$0x0] =	wrdreg $0x0  }
0xa9: {  	s6 =	sshll.u32 s28, $0x1;
	[dreg:$0x2] =	wrdreg s4  }
0xaa: {  	[dreg:$0x3] =	wrdreg s6  }
0xab: {  	[dreg:$0x4] =	wrdreg $0xC0  }
0xac: {  	_ =	task [dreg:s8], $0x5FFFF  }
0xad: {  	[dreg:$0x1] =	wrdreg $0xFFFFFFFF  }
0xae: {  	[dreg:$0x0] =	wrdreg $0x60  }
0xaf: {  	[dreg:$0x2] =	wrdreg s18  }
0xb0: {  	[dreg:$0x3] =	wrdreg s2  }
0xb1: {  	[dreg:$0x4] =	wrdreg s24  }
0xb2: {  	[dreg:$0x5] =	wrdreg $0xA  }
0xb3: {  	_ =	task.clear_ibuf [dreg:s8], $0x6FFFF;
	_ =	strace $0x90000046  }
0xb4: {  	s29 =	simm.s32 $0xA;
	_ =	strace $0x80000048  }
0xb5: {  	_ =	swait.ge [sflag:s29], $0x1  }
0xb6: {  	[sflag:s29] =	ssyncadd.s32 $0xFFFFFFFF  }
0xb7: {  	_ =	strace $0x90000048  }
0xb8: {  	_ =	sfence  }
0xb9: {  	s30 =	sld [smem:$0x0];
	_ =	sdelay $0x2  }
0xba: {  	s31 =	sshll.u32 s1, $0xD;
	s1 =	sshrl.u32 s1, $0x2  }
0xbb: {  	s3 =	sand.u32 $0x4000, s31;
	s1 =	sadd.s32 s1, s30  }
0xbc: {  	s0 =	sor.u32 s3, s0;
	s1 =	sshll.u32 s1, $0x11  }
0xbd: {  	s0 =	sor.u32 s1, s0  }
0xbe: {  	s0 =	sadd.s32 $0x8F2B, s0  }
0xbf: {  	[sflag:s0] =	ssyncadd.remote.s32 $0x1  }
0xc0: {  	_ =	sfence.sel $0xFFFF  }
0xc1: {  	[dreg:$0x0] =	wrdreg $0xFFFFFFFF;
	(pc) =	sbr.abs _section_cstart, $3  }
0xc2: {  	[dreg:$0x1] =	wrdreg $0xFFFFFFFF  }
0xc3: {  	_ =	task.clear_ibuf [dreg:s8], $0x2FFFF;
	_ =	strace $0x9FFFFFFF  }
0xc4: {  	(tm) =	ssettm $0x7FFFFFFF  }
0xc5: {  	_ =	shalt  }
tec
execute0_lowered:
.L_overlay_start_1:
0x0: {  	(tag) =	ssettag $0x1  }
0x1: {  	s1 =	rddreg [dreg:$0x0];
	s2 =	srdreg.scid  }
0x2: {  	s4 =	rddreg [dreg:$0x1];
	s0 =	stileid.u32;
	s10 =	sand.u32 $0x1, s2  }
0x3: {  	s12 =	rddreg [dreg:$0x2];
	s5 =	sshll.u32 s0, $0x5;
	s6 =	sshll.u32 s10, $0x4  }
0x4: {  	s3 =	simm.s32 $0x0;
	s2 =	rddreg [dreg:$0x3];
	s13 =	sor.u32 s6, s5  }
0x5: {  	[smem:$0x7FF] =	sst s3;
	s5 =	sshrl.u32 s13, $0x3  }
0x6: {  	_ =	strace $0x80000047;
	s5 =	sadd.s32 s4, s5;
	s4 =	simm.s32 $0x2  }
0x7: {  	[tilespmem:s3], [sflag:$0x2] =	stream.linear.gather [hbm4b:s5+s3], $0x10, $0x38;
	[tilespmem:$0x2080] =	vst v63  }
0x8: {  	_ =	swait.ge [sflag:s4], $0x10  }
0x9: {  	[sflag:s4] =	ssyncset.done $0x0  }
0xa: {  	[sflag:s4] =	ssyncadd.s32 $0xFFFFFFF0  }
0xb: {  	v0 =	vld [tilespmem:$0x0];
	_ =	sdelay $0x4  }
0xc: {  	v1 =	vshll.u32 v0, $0x2  }
0xd: {  	v2 =	vlaneseq.u32;
	v3 =	vand.u32 $0x7, v0;
	v1 =	vand.u32 $0xFFFFFFE0, v1  }
0xe: {  	v4 =	vshrl.u32 v2, $0x3;
	v0 =	vand.u32 $0x7, v2;
	v3 =	vor.u32 v3, v1  }
0xf: {  	v1 =	vmul.u32 $0x8, v4;
	v63 =	vperm.xlane v3, v0;
	_ =	sdelay $0x1  }
0x10: {  	v4 =	vadd.s32 v1, v63  }
0x11: {  	v2 =	vor.u32 $0x8, v2  }
0x12: {  	v3 =	vperm.xlane v3, v2;
	_ =	sdelay $0x1  }
0x13: {  	vm0 =	vmmov $0xffff;
	s14 =	ssub.s32 $0x2, s10;
	s6 =	simm.s32 $0x80;
	v3 =	vadd.s32 v1, v3  }
0x14: {  	[tilespmem:s6], [sflag:$0x1] =	stream.indirect_vreg.gather [hbm4b:s1+s3], $0x80, v4, vm0, $0xb8;
	[tilespmem:$0x2080] =	vst v63  }
0x15: {  	s8 =	simm.s32 $0x880;
	s7 =	sadd.s32 $0x100, s1;
	s15 =	sshrl.u32 s14, $0x1  }
0x16: {  	[tilespmem:s8], [sflag:$0x1] =	stream.indirect_vreg.gather [hbm4b:s7+s3], $0x80, v4, vm0, $0xb8;
	[tilespmem:$0x2080] =	vst v63  }
0x17: {  	s9 =	simm.s32 $0x1080;
	s14 =	ssub.s32 s14, s15  }
0x18: {  	[tilespmem:s9], [sflag:$0x1] =	stream.indirect_vreg.gather [hbm4b:s1+s3], $0x80, v3, vm0, $0xb8;
	[tilespmem:$0x2080] =	vst v63  }
0x19: {  	s11 =	simm.s32 $0x1;
	s10 =	simm.s32 $0x1880;
	s31 =	smax.u32 s14, $0x1  }
0x1a: {  	[tilespmem:s10], [sflag:$0x1] =	stream.indirect_vreg.gather [hbm4b:s7+s3], $0x80, v3, vm0, $0xb8;
	[tilespmem:$0x2080] =	vst v63  }
0x1b: {  	p0 =	sne.s32 s31, $0x1;
	_ =	swait.ge [sflag:s11], $0x2000  }
.Ltmp0:
0x1c: {  	s13 =	sshll.u32 s13, $0x6;
	[sflag:s11] =	ssyncset.done $0x0;
	(pc) =	sbr.rel @!p0 .LBB2_2-.Ltmp0, $4  }
0x1d: {  	s12 =	sadd.s32 s12, s13;
	[sflag:s11] =	ssyncadd.s32 $0xFFFFE000  }
0x1e: {  	[hbm4b:s12+s3] =	stream.linear.scatter [tilespmem:s6], [sflag:$0x2], $0x2000, $0x38;
	[tilespmem:$0x2080] =	vst v63  }
0x1f: {  	_ =	swait.ge [sflag:s4], $0x2000  }
0x20: {  	s13 =	sadd.s32 $0xFFFFFFFF, s31;
	[sflag:s4] =	ssyncset.done $0x0  }
.LBB2_1:
0x21: {  	p0 =	sne.s32 s13, $0x1;
	s13 =	sadd.s32 $0xFFFFFFFF, s13;
	[sflag:s4] =	ssyncadd.s32 $0xFFFFE000  }
0x22: {  	[tilespmem:s3], [sflag:$0x2] =	stream.linear.gather [hbm4b:s5+s3], $0x10, $0x38;
	[tilespmem:$0x2080] =	vst v63  }
0x23: {  	_ =	swait.ge [sflag:s4], $0x10  }
0x24: {  	[sflag:s4] =	ssyncset.done $0x0  }
0x25: {  	[sflag:s4] =	ssyncadd.s32 $0xFFFFFFF0  }
0x26: {  	v3 =	vld [tilespmem:$0x0];
	_ =	sdelay $0x4  }
0x27: {  	v4 =	vshll.u32 v3, $0x2  }
0x28: {  	v3 =	vand.u32 $0x7, v3;
	v4 =	vand.u32 $0xFFFFFFE0, v4  }
0x29: {  	v3 =	vor.u32 v3, v4  }
0x2a: {  	v4 =	vperm.xlane v3, v0;
	v3 =	vperm.xlane v3, v2;
	_ =	sdelay $0x1  }
0x2b: {  	v4 =	vadd.s32 v1, v4;
	_ =	sdelay $0x3  }
0x2c: {  	v3 =	vadd.s32 v1, v3  }
0x2d: {  	[tilespmem:s6], [sflag:$0x1] =	stream.indirect_vreg.gather [hbm4b:s1+s3], $0x80, v4, vm0, $0xb8;
	[tilespmem:$0x2080] =	vst v63  }
0x2e: {  	_ = 	snop  }
0x2f: {  	[tilespmem:s8], [sflag:$0x1] =	stream.indirect_vreg.gather [hbm4b:s7+s3], $0x80, v4, vm0, $0xb8;
	[tilespmem:$0x2080] =	vst v63  }
0x30: {  	_ = 	snop  }
0x31: {  	[tilespmem:s9], [sflag:$0x1] =	stream.indirect_vreg.gather [hbm4b:s1+s3], $0x80, v3, vm0, $0xb8;
	[tilespmem:$0x2080] =	vst v63  }
0x32: {  	_ = 	snop  }
0x33: {  	[tilespmem:s10], [sflag:$0x1] =	stream.indirect_vreg.gather [hbm4b:s7+s3], $0x80, v3, vm0, $0xb8;
	[tilespmem:$0x2080] =	vst v63  }
0x34: {  	_ =	swait.ge [sflag:s11], $0x2000  }
.Ltmp1:
0x35: {  	[sflag:s11] =	ssyncset.done $0x0;
	(pc) =	sbr.rel @p0 .LBB2_1-.Ltmp1, $4  }
0x36: {  	[sflag:s11] =	ssyncadd.s32 $0xFFFFE000  }
0x37: {  	[hbm4b:s12+s3] =	stream.linear.scatter [tilespmem:s6], [sflag:$0x2], $0x2000, $0x38;
	[tilespmem:$0x2080] =	vst v63  }
0x38: {  	_ =	swait.ge [sflag:s4], $0x2000  }
0x39: {  	[sflag:s4] =	ssyncset.done $0x0  }
.LBB2_2:
0x3a: {  	[sflag:s4] =	ssyncadd.s32 $0xFFFFE000  }
0x3b: {  	_ =	sfence.sel $0x180000  }
0x3c: {  	[bflag:$0x0] =	sbarrier.arrive $0xFFFF  }
0x3d: {  	p0 =	sne.s32 s0, $0x0;
	_ =	strace $0x90000047  }
0x3e: {  	s0 =	sadd.s32 @!p0 $0x100000, s2;
	[bflag:$0x2] =	sbarrier.arrive $0xFFFF  }
0x3f: {  	[sflag:s0] =	ssyncadd.tile.s32 @!p0 $0x1;
	_ =	shalt  }
.Lfunc_end2:
_tile_overlayer_lowered:
.L_overlay_start_2:
0x40: {  	(tag) =	ssettag $0x2  }
0x41: {  	s0 =	rddreg [dreg:$0x0];
	s2 =	stileid.u32  }
0x42: {  	s1 =	rddreg [dreg:$0x1];
	p0 =	sne.s32 s2, $0x0  }
0x43: {  	s3 =	rddreg [dreg:$0x2];
	[bflag:$0x3] =	sbarrier.arrive $0xFFFF;
	s2 =	simm.s32 @!p0 $0x1C02  }
0x44: {  	[timem:s3], [sflag:s2] =	dma.local @!p0 [hbm:s0], s1  }
0x45: {  	s0 =	simm.s32 @!p0 $0x2  }
0x46: {  	_ =	swait.ge @!p0 [sflag:s0], s1  }
0x47: {  	s1 =	ssub.s32 @!p0 $0x0, s1;
	[sflag:s0] =	ssyncset.done @!p0 $0x0  }
0x48: {  	[sflag:s0] =	ssyncadd.s32 @!p0 s1  }
0x49: {  	[bflag:$0x3] =	sbarrier.arrive $0xFFFF  }
0x4a: {  	_ =	shalt  }

// kernel: sparse-core-data-format-call.cloned.1.call-start
scs
called_computation_lowered:
.L_overlay_start_0:
0x0: {  	s2 =	sld [smem:$0x3FD9]  }
0x1: {  	s3 =	sld [smem:$0x3FFE];
	_ =	sdelay $0x1  }
0x2: {  	s1 =	srdreg.scid  }
0x3: {  	s0 =	sand.u32 $0x1, s1  }
0x4: {  	s18 =	sshll.u32 s0, $0xA;
	s2 =	sadd.s32 s3, s2  }
0x5: {  	s2 =	sadd.s32 s2, s18  }
0x6: {  	[smem:$0x3FBC] =	sst s2  }
0x7: {  	_ = 	snop  }
0x8: {  	s19 =	sld [smem:$0x3FBF];
	(tm) =	ssettm $0x1  }
0x9: {  	s20 =	sld [smem:$0x3FFB];
	_ =	sdelay $0x3  }
0xa: {  	_ =	strace s20  }
0xb: {  	s2 =	sld [smem:$0x3FFC];
	_ =	sdelay $0x3  }
0xc: {  	_ =	strace s2  }
0xd: {  	s2 =	sld [smem:$0x3FFD];
	_ =	sdelay $0x3  }
0xe: {  	_ =	strace s2  }
0xf: {  	_ =	strace $0x8FFFFFFF  }
0x10: {  	s21 =	sld [smem:$0x3FDB];
	_ =	sdelay $0x1  }
0x11: {  	s4 =	simm.s32 $_scs_section_size  }
0x12: {  	s5 =	simm.s32 $_size__tile_overlayer_lowered;
	s6 =	simm.s32 $_tile_overlayer_lowered  }
0x13: {  	s7 =	simm.s32 $0x1BFF;
	s22 =	sshll.u32 s6, $0x1;
	s4 =	sadd.s32 s4, s21  }
0x14: {  	s23 =	simm.s32 $0x0;
	s5 =	sshll.u32 s5, $0x1;
	s6 =	sadd.s32 s22, s4  }
0x15: {  	[timem:s23], [sflag:s7] =	dma.local [hbm:s6], s5  }
0x16: {  	_ =	swait.ge [sflag:s7], s5  }
0x17: {  	s5 =	ssub.s32 $0x0, s5;
	[sflag:s7] =	ssyncset.done $0x0  }
0x18: {  	[sflag:s7] =	ssyncadd.s32 s5;
	_ =	sdelay $0x1  }
0x19: {  	s24 =	simm.s32 $0x1B8B  }
0x1a: {  	_ =	swait.ge [sflag:s24], $0x1  }
0x1b: {  	[sflag:s24] =	ssyncset.done $0x0  }
0x1c: {  	[sflag:s24] =	ssyncadd.s32 $0xFFFFFFFF  }
0x1d: {  	s5 =	sld [smem:$0x0]  }
0x1e: {  	s6 =	sand.u32 $0xFFFFFFFE, s1  }
0x1f: {  	p0 =	sne.s32 s1, s6  }
0x20: {  	s6 =	sshll.u32 @p0 s6, $0xE  }
0x21: {  	s6 =	sadd.s32 @p0 $0x11B8D, s6;
	s7 =	sshll.u32 @p0 s5, $0x11  }
0x22: {  	s6 =	sor.u32 @p0 s7, s6  }
0x23: {  	[sflag:s6] =	ssyncadd.remote.s32 @p0 $0x1;
	_ =	sdelay $0x1  }
0x24: {  	s6 =	simm.s32 @p0 $0x1B8D  }
0x25: {  	_ =	swait.eq @p0 [sflag:s6], $0x1  }
0x26: {  	[sflag:s6] =	ssyncadd.s32 @p0 $0xFFFFFFFF  }
0x27: {  	s7 =	sshll.u32 @!p0 s1, $0xE  }
0x28: {  	s7 =	sor.u32 @!p0 $0x4000, s7;
	s6 =	simm.s32 @!p0 $0x1B8D  }
0x29: {  	s5 =	sshll.u32 @!p0 s5, $0x11;
	s7 =	sadd.s32 @!p0 $0x11B8D, s7;
	_ =	swait.eq @!p0 [sflag:s6], $0x1  }
0x2a: {  	s5 =	sor.u32 @!p0 s5, s7;
	[sflag:s6] =	ssyncadd.s32 @!p0 $0xFFFFFFFF  }
0x2b: {  	s26 =	simm.s32 $0x1B8E;
	s25 =	sld [smem:$0x3FFE];
	[sflag:s5] =	ssyncadd.remote.s32 @!p0 $0x1  }
0x2c: {  	s27 =	simm.s32 $execute0_lowered;
	[smem:$0x3FD2] =	sst s26  }
0x2d: {  	s6 =	sshll.u32 s27, $0x1;
	_ =	strace $0x80000049;
	[dreg:$0x1] =	wrdreg $0xFFFFFFFF  }
0x2e: {  	s28 =	simm.s32 $_size_execute0_lowered;
	s4 =	sadd.s32 s4, s6;
	[dreg:$0x0] =	wrdreg $0x0  }
0x2f: {  	s6 =	sshll.u32 s28, $0x1;
	[dreg:$0x2] =	wrdreg s4  }
0x30: {  	[dreg:$0x3] =	wrdreg s6  }
0x31: {  	[dreg:$0x4] =	wrdreg $0xC0  }
0x32: {  	_ =	task [dreg:s23], $0x5FFFF  }
0x33: {  	[dreg:$0x1] =	wrdreg $0xFFFFFFFF  }
0x34: {  	[dreg:$0x0] =	wrdreg $0x60  }
0x35: {  	[dreg:$0x2] =	wrdreg s19  }
0x36: {  	[dreg:$0x3] =	wrdreg s25  }
0x37: {  	[dreg:$0x4] =	wrdreg $0x9  }
0x38: {  	_ =	task.clear_ibuf [dreg:s23], $0x5FFFF;
	_ =	strace $0x90000049  }
0x39: {  	s29 =	simm.s32 $0x9;
	_ =	strace $0x8000004B  }
0x3a: {  	_ =	swait.ge [sflag:s29], $0x1  }
0x3b: {  	[sflag:s29] =	ssyncadd.s32 $0xFFFFFFFF  }
0x3c: {  	_ =	strace $0x9000004B  }
0x3d: {  	_ =	sfence  }
0x3e: {  	s30 =	sld [smem:$0x0];
	_ =	sdelay $0x2  }
0x3f: {  	s31 =	sshll.u32 s1, $0xD;
	s1 =	sshrl.u32 s1, $0x2  }
0x40: {  	s4 =	sand.u32 $0x4000, s31;
	s1 =	sadd.s32 s1, s30  }
0x41: {  	s0 =	sor.u32 s4, s0;
	s1 =	sshll.u32 s1, $0x11  }
0x42: {  	s0 =	sor.u32 s1, s0  }
0x43: {  	s0 =	sadd.s32 $0x8F2B, s0  }
0x44: {  	[sflag:s0] =	ssyncadd.remote.s32 $0x1  }
0x45: {  	_ =	sfence.sel $0xFFFF  }
0x46: {  	[dreg:$0x0] =	wrdreg $0xFFFFFFFF;
	(pc) =	sbr.abs _section_cstart, $3  }
0x47: {  	[dreg:$0x1] =	wrdreg $0xFFFFFFFF  }
0x48: {  	_ =	task.clear_ibuf [dreg:s23], $0x2FFFF;
	_ =	strace $0x9FFFFFFF  }
0x49: {  	(tm) =	ssettm $0x7FFFFFFF  }
tec
execute0_lowered:
.L_overlay_start_1:
0x0: {  	(tag) =	ssettag $0x1  }
0x1: {  	s0 =	srdreg.scid  }
0x2: {  	s1 =	sshll.u32 s0, $0x4  }
0x3: {  	s2 =	rddreg [dreg:$0x0];
	s0 =	stileid.u32;
	s1 =	sand.u32 $0x10, s1  }
0x4: {  	s7 =	rddreg [dreg:$0x1];
	s31 =	simm.s32 $0x2;
	s8 =	sor.u32 s0, s1  }
0x5: {  	s14 =	simm.s32 $0x0;
	s4 =	sshll.u32 s0, $0x7;
	s1 =	sshll.u32 s8, $0x5  }
0x6: {  	s13 =	simm.s32 $0x0;
	s4 =	sand.u32 $0x180, s4;
	s3 =	sand.u32 $0x380, s1  }
0x7: {  	s12 =	simm.s32 $0x0;
	s9 =	ssub.s32 $0xC300, s4;
	s5 =	ssub.s32 $0x400, s3  }
0x8: {  	s1 =	rddreg [dreg:$0x2];
	_ =	strace $0x8000004A;
	s6 =	sand.u32 $0x380, s5  }
0x9: {  	s9 =	sshrl.u32 s9, $0x9;
	p0 =	sne.s32 s6, $0x0;
	s6 =	simm.s32 $0x1  }
.Ltmp0:
0xa: {  	s10 =	sshrl.u32 s5, $0xA;
	s6 =	simm.s32 @!p0 $0x0;
	(pc) =	sbr.rel .LBB1_1-.Ltmp0, $4  }
0xb: {  	s9 =	sadd.s32 $0x1, s9;
	s5 =	simm.s32 $0x1;
	s6 =	sadd.s32 s6, s10  }
0xc: {  	s7 =	sadd.s32 $0x8000, s7;
	[sflag:s5] =	ssyncpa.u1 $0x0;
	s6 =	smul.u32 s9, s6  }
0xd: {  	s8 =	sshll.u32 s8, $0x8;
	s11 =	smov.u32 s4;
	[sflag:s31] =	ssyncpa.u1 $0x0  }
0xe: {  	p0 =	por $0x0, $0x0;
	s10 =	simm.s32 $0x61C00;
	s9 =	sadd.s32 $0x1, s6  }
.LBB1_4:
0xf: {  	s14 =	sshrl.u32 s14, $0x3  }
0x10: {  	s20 =	sshll.u32 s13, $0x3;
	s14 =	smul.u32 $0x61C00, s14  }
0x11: {  	v5 =	vld [tilespmem:s18+$0xFFFFFFD0];
	[tilespmem:s17+$0x2040 ss:$0x81] =	vst.msk $0xffff, v4;
	s20 =	sand.u32 $0xFFFFFC00, s20  }
0x12: {  	v58 =	vld [tilespmem:s18+$0xFFFFFFE0];
	[tilespmem:s17+$0x2850 ss:$0x81] =	vst.msk $0xffff, v3;
	s30 =	sand.u32 $0x7F, s13;
	s14 =	sadd.s32 s20, s14  }
0x13: {  	s19 =	sshra.s32 s19, $0x2;
	v59 =	vld [tilespmem:s18+$0xFFFFFFF0];
	[tilespmem:s17+$0x3060 ss:$0x81] =	vst.msk $0xffff, v2;
	s13 =	sor.u32 s30, s14  }
0x14: {  	v60 =	vld [tilespmem:s18+$0x0];
	[tilespmem:s17+$0x0 ss:$0x81] =	vst.msk $0xffff, v0;
	s16 =	sadd.s32 s19, s16;
	s31 =	smulhi.u32 $0xA79C7B17, s13  }
0x15: {  	v61 =	vld [tilespmem:s18+$0x10];
	[tilespmem:s16+$0x3870 ss:$0x81] =	vst.msk $0xffff, v1  }
0x16: {  	v62 =	vld [tilespmem:s18+$0x20];
	s14 =	smulhi.u32 $0xA79C7B17, s14;
	[tilespmem:s16+$0x810 ss:$0x81] =	vst.msk $0xffff, v5;
	s17 =	sshrl.u32 s31, $0xF  }
0x17: {  	v63 =	vld [tilespmem:s18+$0xFFFFFFC0];
	[tilespmem:s16+$0x1020 ss:$0x81] =	vst.msk $0xffff, v58;
	s17 =	smul.u32 $0xC380, s17  }
0x18: {  	[tilespmem:s16+$0x1830 ss:$0x81] =	vst.msk $0xffff, v59;
	s14 =	sshrl.u32 s14, $0xF  }
0x19: {  	[tilespmem:s16+$0x2040 ss:$0x81] =	vst.msk $0xffff, v60;
	s14 =	sand.u32 $0x3FF, s14;
	s13 =	ssub.s32 s13, s17  }
0x1a: {  	[tilespmem:s16+$0x2850 ss:$0x81] =	vst.msk $0xffff, v61;
	s14 =	smul.u32 $0x1870, s14;
	s17 =	sshrl.u32 s13, $0x3;
	s13 =	sand.u32 $0x7, s13  }
0x1b: {  	[tilespmem:s16+$0x3060 ss:$0x81] =	vst.msk $0xffff, v62;
	s17 =	sadd.s32 s7, s17;
	s13 =	sshll.u32 s13, $0x12  }
0x1c: {  	[tilespmem:s16+$0x0 ss:$0x81] =	vst.msk $0xffff, v63;
	s14 =	sadd.s32 s14, s17;
	s13 =	sor.u32 $0x400, s13  }
0x1d: {  	[hbm4b:s14+s13] =	stream.strided.scatter [tilespmem:s15], [sflag:$0x2], $0x4000, s10, s13, $0x20;
	[tilespmem:$0x10100] =	vst v63  }
.LBB1_5:
0x1e: {  	s15 =	sadd.s32 $0x200, s11  }
0x1f: {  	p2 =	sgt.s32 s15, $0xC34F  }
0x20: {  	s15 =	smov.u32 @p2 s4;
	p2 =	sne.s32 s12, s9  }
.Ltmp1:
0x21: {  	p1 =	slt.u32 s12, $0x2;
	(pc) =	sbr.rel @!p2 .LBB1_6-.Ltmp1, $4  }
0x22: {  	s14 =	simm.s32 @!p1 $0x2  }
0x23: {  	s16 =	sadd.s32 $0x1, s12;
	s13 =	smov.u32 s11;
	_ =	swait.ge @!p1 [sflag:s14], $0x4000  }
0x24: {  	p0 =	por !p0, !p0;
	s12 =	smov.u32 s16;
	[sflag:s14] =	ssyncset.done @!p1 $0x0  }
0x25: {  	s11 =	smov.u32 s15;
	[sflag:s14] =	ssyncadd.s32 @!p1 $0xFFFFC000;
	s14 =	smov.u32 s3  }
.LBB1_1:
0x26: {  	p1 =	sge.u32 s12, s6  }
0x27: {  	s15 =	sshll.u32 @!p1 s11, $0xA  }
0x28: {  	s15 =	sand.u32 @!p1 $0xFFFFE000, s15  }
0x29: {  	s15 =	sor.u32 @!p1 s8, s15  }
0x2a: {  	s17 =	smov.u32 s11;
	p2 =	sgt.s32 @!p1 s11, $0xC2D0;
	s15 =	sshrl.u32 @!p1 s15, $0xA  }
0x2b: {  	s18 =	sshra.s32 @!p1 s11, $0x1F;
	p2 =	por !p2, p1;
	s16 =	smulhi.u32 @!p1 $0x53E2D7, s15  }
0x2c: {  	s31 =	sadd.s32 $0xFFFFFFFF, s12;
	s18 =	sand.u32 @!p1 s18, s11;
	s17 =	simm.s32 @p2 $0xC2D0  }
0x2d: {  	s19 =	sxor.u32 @!p1 $0xFFFFFFFF, s12;
	s17 =	ssub.s32 @!p1 s17, s18;
	s16 =	sshrl.u32 @!p1 s16, $0x6  }
0x2e: {  	s18 =	sshll.u32 @!p1 s19, $0xE;
	s17 =	sadd.s32 @!p1 $0xFFFF3D30, s17;
	s16 =	smul.u32 @!p1 $0xC350, s16  }
0x2f: {  	s19 =	simm.s32 @!p1 $0x2000;
	s18 =	sand.u32 @!p1 $0x4000, s18;
	p2 =	sgt.s32 @!p1 s17, $0x7F  }
0x30: {  	s15 =	ssub.s32 @!p1 s15, s16;
	s16 =	sshll.u32 @!p1 s17, $0x7;
	s17 =	sshll.u32 @!p1 s11, $0x4  }
0x31: {  	p2 =	por !p2, p1;
	s16 =	ssub.s32 @!p1 $0x4000, s16;
	s17 =	sand.u32 @!p1 $0x70, s17  }
0x32: {  	s15 =	sshll.u32 @!p1 s15, $0x7;
	s16 =	sand.u32 @!p1 $0x3FFFFF80, s16;
	s17 =	sadd.s32 @!p1 s2, s17  }
0x33: {  	s16 =	simm.s32 @!p2 $0x0;
	s15 =	sadd.s32 @!p1 s15, s17;
	s17 =	simm.s32 @!p1 $0x400  }
0x34: {  	[tilespmem:s18], [sflag:$0x1] =	stream.strided.gather @!p1 [hbm4b:s15+s17], s16, s19, s17, $0x38;
	[tilespmem:$0x10100] =	vst v63  }
0x35: {  	p1 =	sge.u32 s31, s6  }
.Ltmp2:
0x36: {  	_ = 	snop;
	(pc) =	sbr.rel @p1 .LBB1_5-.Ltmp2, $1  }
0x37: {  	_ =	sdelay $0x3  }
0x38: {  	p1 =	sgt.s32 s13, $0xC2D0;
	s15 =	smov.u32 s13;
	s16 =	sshra.s32 s13, $0x1F  }
0x39: {  	s15 =	simm.s32 @!p1 $0xC2D0;
	s16 =	sand.u32 s16, s13  }
0x3a: {  	s15 =	ssub.s32 s15, s16  }
0x3b: {  	s15 =	sadd.s32 $0xFFFF3D30, s15  }
0x3c: {  	s29 =	sshll.u32 s15, $0x7  }
0x3d: {  	s16 =	ssub.s32 $0x4000, s29  }
0x3e: {  	p1 =	sgt.s32 s15, $0x7F;
	s15 =	sand.u32 $0x3FFFFF80, s16  }
0x3f: {  	s16 =	simm.s32 $0x1;
	s15 =	simm.s32 @p1 $0x0  }
0x40: {  	s16 =	simm.s32 @!p0 $0x0;
	_ =	swait.ge [sflag:s5], s15  }
0x41: {  	s17 =	sshll.u32 s16, $0xE;
	s15 =	ssub.s32 $0x0, s15;
	[sflag:s5] =	ssyncset.done $0x0  }
0x42: {  	s18 =	sor.u32 $0x40, s17;
	[sflag:s5] =	ssyncadd.s32 s15  }
0x43: {  	s30 =	smul.u32 $0x10200, s16;
	v0 =	vld [tilespmem:s18+$0x30]  }
0x44: {  	v1 =	vld [tilespmem:s18+$0xFFFFFFD0]  }
0x45: {  	s15 =	sshrl.u32 s30, $0x2;
	v5 =	vld [tilespmem:s18+$0xFFFFFFE0]  }
0x46: {  	s16 =	sor.u32 $0x8000, s15;
	v6 =	vld [tilespmem:s18+$0xFFFFFFF0]  }
0x47: {  	s31 =	sand.u32 $0x1, s12;
	v4 =	vld [tilespmem:s18+$0x0];
	s17 =	sadd.s32 $0x0, s16  }
0x48: {  	s15 =	smul.u32 $0x10200, s31;
	v3 =	vld [tilespmem:s18+$0x10];
	[tilespmem:s17+$0x3870 ss:$0x81] =	vst.msk $0xffff, v0  }
0x49: {  	v2 =	vld [tilespmem:s18+$0x20];
	[tilespmem:s17+$0x810 ss:$0x81] =	vst.msk $0xffff, v1  }
0x4a: {  	s15 =	sshrl.u32 s15, $0x2;
	v0 =	vld [tilespmem:s18+$0xFFFFFFC0];
	[tilespmem:s17+$0x1020 ss:$0x81] =	vst.msk $0xffff, v5;
	s18 =	sadd.s32 $0x80, s18  }
0x4b: {  	s19 =	simm.s32 $0x4;
	s20 =	simm.s32 $0x8;
	s15 =	sor.u32 $0x8000, s15;
	[tilespmem:s17+$0x1830 ss:$0x81] =	vst.msk $0xffff, v6;
	v1 =	vld [tilespmem:s18+$0x30]  }
.LBB1_3:
0x4c: {  	p1 =	sne.s32 s20, $0x1FC;
	v5 =	vld [tilespmem:s18+$0xFFFFFFD0];
	[tilespmem:s17+$0x2040 ss:$0x81] =	vst.msk $0xffff, v4  }
0x4d: {  	v6 =	vld [tilespmem:s18+$0xFFFFFFE0];
	[tilespmem:s17+$0x2850 ss:$0x81] =	vst.msk $0xffff, v3  }
0x4e: {  	s21 =	sshra.s32 s19, $0x2;
	s19 =	smov.u32 s20;
	v7 =	vld [tilespmem:s18+$0xFFFFFFF0];
	[tilespmem:s17+$0x3060 ss:$0x81] =	vst.msk $0xffff, v2  }
.Ltmp3:
0x4f: {  	v4 =	vld [tilespmem:s18+$0x0];
	[tilespmem:s17+$0x0 ss:$0x81] =	vst.msk $0xffff, v0;
	s17 =	sadd.s32 s21, s16;
	(pc) =	sbr.rel @p1 .LBB1_3-.Ltmp3, $4  }
0x50: {  	v3 =	vld [tilespmem:s18+$0x10];
	[tilespmem:s17+$0x3870 ss:$0x81] =	vst.msk $0xffff, v1  }
0x51: {  	[tilespmem:s17+$0x810 ss:$0x81] =	vst.msk $0xffff, v5;
	v2 =	vld [tilespmem:s18+$0x20]  }
0x52: {  	v0 =	vld [tilespmem:s18+$0xFFFFFFC0];
	[tilespmem:s17+$0x1020 ss:$0x81] =	vst.msk $0xffff, v6;
	s18 =	sadd.s32 $0x80, s18  }
0x53: {  	s20 =	sadd.s32 $0x4, s20;
	v1 =	vld [tilespmem:s18+$0x30];
	[tilespmem:s17+$0x1830 ss:$0x81] =	vst.msk $0xffff, v7  }
.Ltmp4:
0x54: {  	_ = 	snop;
	(pc) =	sbr.rel .LBB1_4-.Ltmp4, $1  }
0x55: {  	_ =	sdelay $0x3  }
.LBB1_6:
0x56: {  	_ =	sfence.sel $0x180000  }
0x57: {  	s2 =	simm.s32 $0x1;
	[bflag:$0x0] =	sbarrier.arrive $0xFFFF  }
0x58: {  	s31 =	simm.s32 $0x2;
	[sflag:s2] =	ssyncpa.u1 $0x1  }
0x59: {  	[sflag:s31] =	ssyncpa.u1 $0x1  }
0x5a: {  	p0 =	sne.s32 s0, $0x0;
	_ =	strace $0x9000004A  }
0x5b: {  	s0 =	sadd.s32 @!p0 $0x100000, s1;
	[bflag:$0x2] =	sbarrier.arrive $0xFFFF  }
0x5c: {  	[sflag:s0] =	ssyncadd.tile.s32 @!p0 $0x1;
	_ =	shalt  }
.Lfunc_end1:
_tile_overlayer_lowered:
.L_overlay_start_2:
0x5d: {  	(tag) =	ssettag $0x2  }
0x5e: {  	s0 =	rddreg [dreg:$0x0];
	s2 =	stileid.u32  }
0x5f: {  	s1 =	rddreg [dreg:$0x1];
	p0 =	sne.s32 s2, $0x0  }
0x60: {  	s3 =	rddreg [dreg:$0x2];
	[bflag:$0x3] =	sbarrier.arrive $0xFFFF;
	s2 =	simm.s32 @!p0 $0x1C01  }
0x61: {  	[timem:s3], [sflag:s2] =	dma.local @!p0 [hbm:s0], s1  }
0x62: {  	s0 =	simm.s32 @!p0 $0x1  }
0x63: {  	_ =	swait.ge @!p0 [sflag:s0], s1  }
0x64: {  	s1 =	ssub.s32 @!p0 $0x0, s1;
	[sflag:s0] =	ssyncset.done @!p0 $0x0  }
0x65: {  	[sflag:s0] =	ssyncadd.s32 @!p0 s1  }
0x66: {  	[bflag:$0x3] =	sbarrier.arrive $0xFFFF  }
0x67: {  	_ =	shalt  }

</sc_bundles>
